<compile_context>
chip_gen: v7x
topology: tpu7x:2x2x1
jax: 0.10.2.dev20260603
libtpu: 0.0.44.dev20260713+nightly
codegen_flags: <defaults>
</compile_context>

<pallas_src>
import functools

import jax
import jax.numpy as jnp
from jax import lax
from jax.experimental import pallas as pl
from jax.experimental.pallas import tpu as pltpu
from jax.experimental.pallas import tpu_sc as plsc

_BS = 4096
_B = 256


def _sc_body(ts_hbm, tab_hbm, out_hbm, idx_v, a_v, sa_v, sb_v, sem):
    wid = lax.axis_index("s") * 2 + lax.axis_index("c")

    @pl.when(wid < _B // 16)
    def _():
        base = wid * 16
        pltpu.sync_copy(ts_hbm.at[pl.ds(base, 16)], idx_v)
        pltpu.async_copy(tab_hbm.at[idx_v], a_v, sem).wait()
        a = a_v[...]

        def _sqrt(v):
            half = 0.5 * v
            y = lax.bitcast_convert_type(
                jnp.full((16,), 0x5F3759DF, jnp.int32)
                - lax.shift_right_logical(
                    lax.bitcast_convert_type(v, jnp.int32), 1
                ),
                jnp.float32,
            )
            for _ in range(3):
                y = y * (1.5 - half * y * y)
            return v * y

        sa_v[...] = _sqrt(a)
        sb_v[...] = _sqrt(1.0 - a)
        pltpu.sync_copy(sa_v, out_hbm.at[0, pl.ds(base, 16)])
        pltpu.sync_copy(sb_v, out_hbm.at[1, pl.ds(base, 16)])


@functools.partial(
    pl.kernel,
    mesh=plsc.VectorSubcoreMesh(core_axis_name="c", subcore_axis_name="s"),
    out_type=jax.ShapeDtypeStruct((2, _B), jnp.float32),
    scratch_types=[
        pltpu.VMEM((16,), jnp.int32),
        pltpu.VMEM((16,), jnp.float32),
        pltpu.VMEM((16,), jnp.float32),
        pltpu.VMEM((16,), jnp.float32),
        pltpu.SemaphoreType.DMA,
    ],
)
def _sc_scales(ts_hbm, tab_hbm, out_hbm, idx_v, a_v, sa_v, sb_v, sem):
    _sc_body(ts_hbm, tab_hbm, out_hbm, idx_v, a_v, sa_v, sb_v, sem)


def _tc_body(s_ref, x_ref, n_ref, o_ref):
    o_ref[...] = s_ref[0:1, :] * x_ref[...] + s_ref[1:2, :] * n_ref[...]


def kernel(original_samples, noise, timesteps, alphas_cumprod):
    b, c, h, w = original_samples.shape
    p = c * h * w
    xt = original_samples.transpose(1, 2, 3, 0).reshape(p, b)
    nt = noise.transpose(1, 2, 3, 0).reshape(p, b)
    ts = timesteps.astype(jnp.int32)
    tab = jnp.pad(alphas_cumprod, (0, 1024 - alphas_cumprod.shape[0]))

    scales = _sc_scales(ts, tab)

    blk = pl.BlockSpec((_BS, b), lambda i: (i, 0))
    out = pl.pallas_call(
        _tc_body,
        grid=(p // _BS,),
        in_specs=[pl.BlockSpec((2, b), lambda i: (0, 0)), blk, blk],
        out_specs=blk,
        out_shape=jax.ShapeDtypeStruct((p, b), jnp.float32),
        compiler_params=pltpu.CompilerParams(dimension_semantics=("arbitrary",)),
    )(scales, xt, nt)
    return out.reshape(c, h, w, b).transpose(3, 0, 1, 2)

# --- scband reference (transcript-rebuilt; emitter-appended) ---
"""Pipeline reference for scband-scheduler-25099788878060 (READ-ONLY COPY).

The authoritative reference and input builder live on the scoring server;
editing this copy changes nothing except your own understanding.
"""

import jax, jax.numpy as jnp
import numpy as np

NUM_TRAIN_TIMESTEPS = 1000
BETA_START = 1e-4
BETA_END = 2e-2


def setup_inputs(seed: int = 0) -> dict:
    key = jax.random.key(seed)
    k1, k2, k3 = jax.random.split(key, 3)
    # linear_beta noise schedule, computed exactly as in Scheduler.__init__
    betas = jnp.linspace(BETA_START, BETA_END, NUM_TRAIN_TIMESTEPS, dtype=jnp.float32)
    alphas = 1.0 - betas
    alphas_cumprod = jnp.cumprod(alphas, axis=0)
    original_samples = jax.random.normal(k1, (256, 4, 64, 64), dtype=jnp.float32)
    noise = jax.random.normal(k2, (256, 4, 64, 64), dtype=jnp.float32)
    timesteps = jax.random.randint(k3, (256,), 0, NUM_TRAIN_TIMESTEPS, dtype=jnp.int64 if jax.config.jax_enable_x64 else jnp.int32)
    return {
        "original_samples": original_samples,
        "noise": noise,
        "timesteps": timesteps,
        "alphas_cumprod": alphas_cumprod,
    }


def reference(original_samples, noise, timesteps, alphas_cumprod):
    # Scheduler.add_noise
    acp = jnp.take(alphas_cumprod, timesteps, axis=0)  # embedding-style gather [B]
    bshape = (acp.shape[0],) + (1,) * (original_samples.ndim - 1)  # unsqueeze_right
    sqrt_alpha_cumprod = jnp.reshape(acp ** 0.5, bshape)
    sqrt_one_minus_alpha_prod = jnp.reshape((1.0 - acp) ** 0.5, bshape)
    noisy_samples = sqrt_alpha_cumprod * original_samples + sqrt_one_minus_alpha_prod * noise
    return noisy_samples

if __name__ == "__main__":
    import jax
    _d = setup_inputs()
    print(jax.jit(kernel)(*tuple(_d.values())))

</pallas_src>

<mosaic_0001>
#map = affine_map<(d0, d1) -> (0)>
#map1 = affine_map<(d0, d1) -> (0, 0)>
module attributes {stable_mosaic.version = 14 : i64} {
  func.func @_sc_scales(%arg0: i32, %arg1: i32, %arg2: memref<256xi32, #tpu.memory_space<hbm>>, %arg3: memref<1024xf32, #tpu.memory_space<hbm>>, %arg4: memref<2x256xf32, #tpu.memory_space<hbm>>, %arg5: memref<16xi32, #tpu.memory_space<vmem>>, %arg6: memref<16xf32, #tpu.memory_space<vmem>>, %arg7: memref<16xf32, #tpu.memory_space<vmem>>, %arg8: memref<16xf32, #tpu.memory_space<vmem>>, %arg9: memref<!tpu.dma_semaphore, #tpu.memory_space<semaphore_mem>>) attributes {dimension_semantics = [#tpu.dimension_semantics<core_parallel>, #tpu.dimension_semantics<subcore_parallel>], iteration_bounds = array<i64: 2, 16>, scalar_prefetch = 0 : i64, scratch_operands = 5 : i64, tpu.core_type = #tpu.core_type<sc_vector_subcore>, window_params = [{transform_indices = #map}, {transform_indices = #map}, {transform_indices = #map1}]} {
    %mul3A = arith.constant 2 : i32
    %mul3A_0 = arith.muli %arg1, %mul3A : i32
    %add3A = arith.addi %mul3A_0, %arg0 : i32
    %lt3A = arith.constant 16 : i32
    %lt3A_1 = arith.cmpi slt, %add3A, %lt3A : i32
    %convert_element_type3A = arith.extui %lt3A_1 : i1 to i32
    %cond3A = arith.constant 0 : i32
    %cond3A_2 = arith.cmpi ne, %convert_element_type3A, %cond3A : i32
    scf.if %cond3A_2 {
      %mul3A_3 = arith.constant 16 : i32
      %mul3A_4 = arith.muli %add3A, %mul3A_3 : i32
      "tpu.region"() ({
        %run_scoped3A_76 = tpu.sem_alloc : memref<!tpu.dma_semaphore, #tpu.memory_space<semaphore_mem>>
        %dma_start3A_77 = tpu.memref_slice %arg2[%mul3A_4] : memref<256xi32, #tpu.memory_space<hbm>> -> memref<16xi32, #tpu.memory_space<hbm>>
        %dma_start3A_78 = tpu.memref_slice %arg2[%mul3A_4] : memref<256xi32, #tpu.memory_space<hbm>> -> memref<16xi32, #tpu.memory_space<hbm>>
        tpu.enqueue_dma source(%dma_start3A_78 : memref<16xi32, #tpu.memory_space<hbm>>) target(%arg5 : memref<16xi32, #tpu.memory_space<vmem>>) target_semaphore(%run_scoped3A_76 : memref<!tpu.dma_semaphore, #tpu.memory_space<semaphore_mem>>)
        %dma_wait3A_79 = tpu.memref_slice %arg2[%mul3A_4] : memref<256xi32, #tpu.memory_space<hbm>> -> memref<16xi32, #tpu.memory_space<hbm>>
        %dma_wait3A_80 = tpu.memref_slice %arg2[%mul3A_4] : memref<256xi32, #tpu.memory_space<hbm>> -> memref<16xi32, #tpu.memory_space<hbm>>
        tpu.wait_dma2 semaphore(%run_scoped3A_76 : memref<!tpu.dma_semaphore, #tpu.memory_space<semaphore_mem>>) src(%dma_wait3A_80 : memref<16xi32, #tpu.memory_space<hbm>>) dst(%arg5 : memref<16xi32, #tpu.memory_space<vmem>>)
        tpu.yield
      }) : () -> ()
      %dma_start3A = arith.constant 0 : i32
      %dma_start3A_5 = tpu.memref_slice %arg3[%dma_start3A] : memref<1024xf32, #tpu.memory_space<hbm>> -> memref<1024xf32, #tpu.memory_space<hbm>>
      tpu.enqueue_indirect_dma source(%dma_start3A_5 : memref<1024xf32, #tpu.memory_space<hbm>>) target(%arg6 : memref<16xf32, #tpu.memory_space<vmem>>) offsets(%arg5 : memref<16xi32, #tpu.memory_space<vmem>>) semaphore(%arg9 : memref<!tpu.dma_semaphore, #tpu.memory_space<semaphore_mem>>)
      %dma_wait3A = arith.constant 0 : i32
      %dma_wait3A_6 = tpu.memref_slice %arg3[%dma_wait3A] : memref<1024xf32, #tpu.memory_space<hbm>> -> memref<1024xf32, #tpu.memory_space<hbm>>
      tpu.wait_indirect_dma semaphore(%arg9 : memref<!tpu.dma_semaphore, #tpu.memory_space<semaphore_mem>>) src(%dma_wait3A_6 : memref<1024xf32, #tpu.memory_space<hbm>>) dst(%arg6 : memref<16xf32, #tpu.memory_space<vmem>>)
      %get3A = arith.constant 0 : index
      %get3A_7 = tpu.vector_load %arg6[%get3A] {strides = array<i32>} : memref<16xf32, #tpu.memory_space<vmem>>, vector<16xf32>,
      %get3A_8 = vector.shape_cast %get3A_7 : vector<16xf32> to vector<16xf32>
      %mul3A_9 = arith.constant 5.000000e-01 : f32
      %mul3A_10 = vector.broadcast %mul3A_9 : f32 to vector<16xf32>
      %mul3A_11 = arith.mulf %mul3A_10, %get3A_8 : vector<16xf32>
      %broadcast_in_dim3A = arith.constant 1597463007 : i32
      %broadcast_in_dim3A_12 = vector.broadcast %broadcast_in_dim3A : i32 to vector<16xi32>
      %bitcast_convert_type3A = tpu.bitcast %get3A_8 : vector<16xf32> -> vector<16xi32>
      %shift_right_logical3A = arith.constant 1 : i32
      %shift_right_logical3A_13 = vector.broadcast %shift_right_logical3A : i32 to vector<16xi32>
      %shift_right_logical3A_14 = arith.shrui %bitcast_convert_type3A, %shift_right_logical3A_13 : vector<16xi32>
      %sub3A = arith.subi %broadcast_in_dim3A_12, %shift_right_logical3A_14 : vector<16xi32>
      %bitcast_convert_type3A_15 = tpu.bitcast %sub3A : vector<16xi32> -> vector<16xf32>
      %mul3A_16 = arith.mulf %mul3A_11, %bitcast_convert_type3A_15 : vector<16xf32>
      %mul3A_17 = arith.mulf %mul3A_16, %bitcast_convert_type3A_15 : vector<16xf32>
      %sub3A_18 = arith.constant 1.500000e+00 : f32
      %sub3A_19 = vector.broadcast %sub3A_18 : f32 to vector<16xf32>
      %sub3A_20 = arith.subf %sub3A_19, %mul3A_17 : vector<16xf32>
      %mul3A_21 = arith.mulf %bitcast_convert_type3A_15, %sub3A_20 : vector<16xf32>
      %mul3A_22 = arith.mulf %mul3A_11, %mul3A_21 : vector<16xf32>
      %mul3A_23 = arith.mulf %mul3A_22, %mul3A_21 : vector<16xf32>
      %sub3A_24 = arith.constant 1.500000e+00 : f32
      %sub3A_25 = vector.broadcast %sub3A_24 : f32 to vector<16xf32>
      %sub3A_26 = arith.subf %sub3A_25, %mul3A_23 : vector<16xf32>
      %mul3A_27 = arith.mulf %mul3A_21, %sub3A_26 : vector<16xf32>
      %mul3A_28 = arith.mulf %mul3A_11, %mul3A_27 : vector<16xf32>
      %mul3A_29 = arith.mulf %mul3A_28, %mul3A_27 : vector<16xf32>
      %sub3A_30 = arith.constant 1.500000e+00 : f32
      %sub3A_31 = vector.broadcast %sub3A_30 : f32 to vector<16xf32>
      %sub3A_32 = arith.subf %sub3A_31, %mul3A_29 : vector<16xf32>
      %mul3A_33 = arith.mulf %mul3A_27, %sub3A_32 : vector<16xf32>
      %mul3A_34 = arith.mulf %get3A_8, %mul3A_33 : vector<16xf32>
      %swap3A = arith.constant 0 : index
      %swap3A_35 = tpu.vector_load %arg7[%swap3A] {strides = array<i32>} : memref<16xf32, #tpu.memory_space<vmem>>, vector<16xf32>,
      %swap3A_36 = vector.shape_cast %swap3A_35 : vector<16xf32> to vector<16xf32>
      %swap3A_37 = vector.shape_cast %mul3A_34 : vector<16xf32> to vector<16xf32>
      tpu.vector_store %arg7[%swap3A], %swap3A_37 {strides = array<i32>} : memref<16xf32, #tpu.memory_space<vmem>>, vector<16xf32>,
      %sub3A_38 = arith.constant 1.000000e+00 : f32
      %sub3A_39 = vector.broadcast %sub3A_38 : f32 to vector<16xf32>
      %sub3A_40 = arith.subf %sub3A_39, %get3A_8 : vector<16xf32>
      %mul3A_41 = arith.constant 5.000000e-01 : f32
      %mul3A_42 = vector.broadcast %mul3A_41 : f32 to vector<16xf32>
      %mul3A_43 = arith.mulf %mul3A_42, %sub3A_40 : vector<16xf32>
      %broadcast_in_dim3A_44 = arith.constant 1597463007 : i32
      %broadcast_in_dim3A_45 = vector.broadcast %broadcast_in_dim3A_44 : i32 to vector<16xi32>
      %bitcast_convert_type3A_46 = tpu.bitcast %sub3A_40 : vector<16xf32> -> vector<16xi32>
      %shift_right_logical3A_47 = arith.constant 1 : i32
      %shift_right_logical3A_48 = vector.broadcast %shift_right_logical3A_47 : i32 to vector<16xi32>
      %shift_right_logical3A_49 = arith.shrui %bitcast_convert_type3A_46, %shift_right_logical3A_48 : vector<16xi32>
      %sub3A_50 = arith.subi %broadcast_in_dim3A_45, %shift_right_logical3A_49 : vector<16xi32>
      %bitcast_convert_type3A_51 = tpu.bitcast %sub3A_50 : vector<16xi32> -> vector<16xf32>
      %mul3A_52 = arith.mulf %mul3A_43, %bitcast_convert_type3A_51 : vector<16xf32>
      %mul3A_53 = arith.mulf %mul3A_52, %bitcast_convert_type3A_51 : vector<16xf32>
      %sub3A_54 = arith.constant 1.500000e+00 : f32
      %sub3A_55 = vector.broadcast %sub3A_54 : f32 to vector<16xf32>
      %sub3A_56 = arith.subf %sub3A_55, %mul3A_53 : vector<16xf32>
      %mul3A_57 = arith.mulf %bitcast_convert_type3A_51, %sub3A_56 : vector<16xf32>
      %mul3A_58 = arith.mulf %mul3A_43, %mul3A_57 : vector<16xf32>
      %mul3A_59 = arith.mulf %mul3A_58, %mul3A_57 : vector<16xf32>
      %sub3A_60 = arith.constant 1.500000e+00 : f32
      %sub3A_61 = vector.broadcast %sub3A_60 : f32 to vector<16xf32>
      %sub3A_62 = arith.subf %sub3A_61, %mul3A_59 : vector<16xf32>
      %mul3A_63 = arith.mulf %mul3A_57, %sub3A_62 : vector<16xf32>
      %mul3A_64 = arith.mulf %mul3A_43, %mul3A_63 : vector<16xf32>
      %mul3A_65 = arith.mulf %mul3A_64, %mul3A_63 : vector<16xf32>
      %sub3A_66 = arith.constant 1.500000e+00 : f32
      %sub3A_67 = vector.broadcast %sub3A_66 : f32 to vector<16xf32>
      %sub3A_68 = arith.subf %sub3A_67, %mul3A_65 : vector<16xf32>
      %mul3A_69 = arith.mulf %mul3A_63, %sub3A_68 : vector<16xf32>
      %mul3A_70 = arith.mulf %sub3A_40, %mul3A_69 : vector<16xf32>
      %swap3A_71 = arith.constant 0 : index
      %swap3A_72 = tpu.vector_load %arg8[%swap3A_71] {strides = array<i32>} : memref<16xf32, #tpu.memory_space<vmem>>, vector<16xf32>,
      %swap3A_73 = vector.shape_cast %swap3A_72 : vector<16xf32> to vector<16xf32>
      %swap3A_74 = vector.shape_cast %mul3A_70 : vector<16xf32> to vector<16xf32>
      tpu.vector_store %arg8[%swap3A_71], %swap3A_74 {strides = array<i32>} : memref<16xf32, #tpu.memory_space<vmem>>, vector<16xf32>,
      %run_scoped3A = arith.constant 0 : i32
      "tpu.region"() ({
        %run_scoped3A_76 = tpu.sem_alloc : memref<!tpu.dma_semaphore, #tpu.memory_space<semaphore_mem>>
        %dma_start3A_77 = tpu.memref_slice %arg4[%run_scoped3A, %mul3A_4] : memref<2x256xf32, #tpu.memory_space<hbm>> -> memref<1x16xf32, #tpu.memory_space<hbm>>
        %dma_start3A_78 = tpu.memref_squeeze %dma_start3A_77 : memref<1x16xf32, #tpu.memory_space<hbm>> -> memref<16xf32, #tpu.memory_space<hbm>>
        %dma_start3A_79 = tpu.memref_slice %arg4[%run_scoped3A, %mul3A_4] : memref<2x256xf32, #tpu.memory_space<hbm>> -> memref<1x16xf32, #tpu.memory_space<hbm>>
        %dma_start3A_80 = tpu.memref_squeeze %dma_start3A_79 : memref<1x16xf32, #tpu.memory_space<hbm>> -> memref<16xf32, #tpu.memory_space<hbm>>
        tpu.enqueue_dma source(%arg7 : memref<16xf32, #tpu.memory_space<vmem>>) target(%dma_start3A_80 : memref<16xf32, #tpu.memory_space<hbm>>) target_semaphore(%run_scoped3A_76 : memref<!tpu.dma_semaphore, #tpu.memory_space<semaphore_mem>>)
        %dma_wait3A_81 = tpu.memref_slice %arg4[%run_scoped3A, %mul3A_4] : memref<2x256xf32, #tpu.memory_space<hbm>> -> memref<1x16xf32, #tpu.memory_space<hbm>>
        %dma_wait3A_82 = tpu.memref_squeeze %dma_wait3A_81 : memref<1x16xf32, #tpu.memory_space<hbm>> -> memref<16xf32, #tpu.memory_space<hbm>>
        %dma_wait3A_83 = tpu.memref_slice %arg4[%run_scoped3A, %mul3A_4] : memref<2x256xf32, #tpu.memory_space<hbm>> -> memref<1x16xf32, #tpu.memory_space<hbm>>
        %dma_wait3A_84 = tpu.memref_squeeze %dma_wait3A_83 : memref<1x16xf32, #tpu.memory_space<hbm>> -> memref<16xf32, #tpu.memory_space<hbm>>
        tpu.wait_dma2 semaphore(%run_scoped3A_76 : memref<!tpu.dma_semaphore, #tpu.memory_space<semaphore_mem>>) src(%arg7 : memref<16xf32, #tpu.memory_space<vmem>>) dst(%dma_wait3A_84 : memref<16xf32, #tpu.memory_space<hbm>>)
        tpu.yield
      }) : () -> ()
      %run_scoped3A_75 = arith.constant 1 : i32
      "tpu.region"() ({
        %run_scoped3A_76 = tpu.sem_alloc : memref<!tpu.dma_semaphore, #tpu.memory_space<semaphore_mem>>
        %dma_start3A_77 = tpu.memref_slice %arg4[%run_scoped3A_75, %mul3A_4] : memref<2x256xf32, #tpu.memory_space<hbm>> -> memref<1x16xf32, #tpu.memory_space<hbm>>
        %dma_start3A_78 = tpu.memref_squeeze %dma_start3A_77 : memref<1x16xf32, #tpu.memory_space<hbm>> -> memref<16xf32, #tpu.memory_space<hbm>>
        %dma_start3A_79 = tpu.memref_slice %arg4[%run_scoped3A_75, %mul3A_4] : memref<2x256xf32, #tpu.memory_space<hbm>> -> memref<1x16xf32, #tpu.memory_space<hbm>>
        %dma_start3A_80 = tpu.memref_squeeze %dma_start3A_79 : memref<1x16xf32, #tpu.memory_space<hbm>> -> memref<16xf32, #tpu.memory_space<hbm>>
        tpu.enqueue_dma source(%arg8 : memref<16xf32, #tpu.memory_space<vmem>>) target(%dma_start3A_80 : memref<16xf32, #tpu.memory_space<hbm>>) target_semaphore(%run_scoped3A_76 : memref<!tpu.dma_semaphore, #tpu.memory_space<semaphore_mem>>)
        %dma_wait3A_81 = tpu.memref_slice %arg4[%run_scoped3A_75, %mul3A_4] : memref<2x256xf32, #tpu.memory_space<hbm>> -> memref<1x16xf32, #tpu.memory_space<hbm>>
        %dma_wait3A_82 = tpu.memref_squeeze %dma_wait3A_81 : memref<1x16xf32, #tpu.memory_space<hbm>> -> memref<16xf32, #tpu.memory_space<hbm>>
        %dma_wait3A_83 = tpu.memref_slice %arg4[%run_scoped3A_75, %mul3A_4] : memref<2x256xf32, #tpu.memory_space<hbm>> -> memref<1x16xf32, #tpu.memory_space<hbm>>
        %dma_wait3A_84 = tpu.memref_squeeze %dma_wait3A_83 : memref<1x16xf32, #tpu.memory_space<hbm>> -> memref<16xf32, #tpu.memory_space<hbm>>
        tpu.wait_dma2 semaphore(%run_scoped3A_76 : memref<!tpu.dma_semaphore, #tpu.memory_space<semaphore_mem>>) src(%arg8 : memref<16xf32, #tpu.memory_space<vmem>>) dst(%dma_wait3A_84 : memref<16xf32, #tpu.memory_space<hbm>>)
        tpu.yield
      }) : () -> ()
    } else {
    }
    return
  }
}

module attributes {stable_mosaic.version = 14 : i64} {
  func.func @_tc_body(%arg0: i32, %arg1: memref<2x256xf32, #tpu.memory_space<vmem>>, %arg2: memref<4096x256xf32, #tpu.memory_space<vmem>>, %arg3: memref<4096x256xf32, #tpu.memory_space<vmem>>, %arg4: memref<4096x256xf32, #tpu.memory_space<vmem>>) attributes {dimension_semantics = [#tpu.dimension_semantics<arbitrary>], iteration_bounds = array<i64: 4>, scalar_prefetch = 0 : i64, scratch_operands = 0 : i64, tpu.core_type = #tpu.core_type<tc>, window_params = [{pipeline_mode = #tpu.pipeline_mode<synchronous>, transform_indices = @transform_0, window_bounds = array<i64: 2, 256>}, {transform_indices = @transform_1, window_bounds = array<i64: 4096, 256>}, {transform_indices = @transform_2, window_bounds = array<i64: 4096, 256>}, {transform_indices = @transform_3, window_bounds = array<i64: 4096, 256>}]} {
    %get3A = arith.constant 0 : index
    %get3A_0 = arith.constant 0 : index
    %get3A_1 = vector.load %arg1[%get3A, %get3A_0] : memref<2x256xf32, #tpu.memory_space<vmem>>, vector<1x256xf32>
    %get3A_2 = arith.constant 0 : index
    %get3A_3 = arith.constant 0 : index
    %get3A_4 = vector.load %arg2[%get3A_2, %get3A_3] : memref<4096x256xf32, #tpu.memory_space<vmem>>, vector<4096x256xf32>
    %mul3A = vector.broadcast %get3A_1 : vector<1x256xf32> to vector<4096x256xf32>
    %mul3A_5 = arith.mulf %mul3A, %get3A_4 : vector<4096x256xf32>
    %get3A_6 = arith.constant 1 : index
    %get3A_7 = arith.constant 0 : index
    %get3A_8 = vector.load %arg1[%get3A_6, %get3A_7] : memref<2x256xf32, #tpu.memory_space<vmem>>, vector<1x256xf32>
    %get3A_9 = arith.constant 0 : index
    %get3A_10 = arith.constant 0 : index
    %get3A_11 = vector.load %arg3[%get3A_9, %get3A_10] : memref<4096x256xf32, #tpu.memory_space<vmem>>, vector<4096x256xf32>
    %mul3A_12 = vector.broadcast %get3A_8 : vector<1x256xf32> to vector<4096x256xf32>
    %mul3A_13 = arith.mulf %mul3A_12, %get3A_11 : vector<4096x256xf32>
    %add3A = arith.addf %mul3A_5, %mul3A_13 : vector<4096x256xf32>
    %swap3A = arith.constant 0 : index
    %swap3A_14 = arith.constant 0 : index
    %swap3A_15 = vector.load %arg4[%swap3A, %swap3A_14] : memref<4096x256xf32, #tpu.memory_space<vmem>>, vector<4096x256xf32>
    tpu.vector_store %arg4[%swap3A, %swap3A_14], %add3A {strides = array<i32>} : memref<4096x256xf32, #tpu.memory_space<vmem>>, vector<4096x256xf32>,
    return
  }
  func.func @transform_0(%arg0: i32) -> (i32, i32) {
    %c0_i32 = arith.constant 0 : i32
    %c0_i32_0 = arith.constant 0 : i32
    %c0_i32_1 = arith.constant 0 : i32
    return %c0_i32, %c0_i32_0 : i32, i32
  }
  func.func @transform_1(%arg0: i32) -> (i32, i32) {
    %c0_i32 = arith.constant 0 : i32
    %c0_i32_0 = arith.constant 0 : i32
    return %arg0, %c0_i32 : i32, i32
  }
  func.func @transform_2(%arg0: i32) -> (i32, i32) {
    %c0_i32 = arith.constant 0 : i32
    %c0_i32_0 = arith.constant 0 : i32
    return %arg0, %c0_i32 : i32, i32
  }
  func.func @transform_3(%arg0: i32) -> (i32, i32) {
    %c0_i32 = arith.constant 0 : i32
    %c0_i32_0 = arith.constant 0 : i32
    return %arg0, %c0_i32 : i32, i32
  }
}

</mosaic_0001>

<sc_bundles>
// kernel: kernel.4.cloned.1.call-start
scs
__scs_entry_jumppad:
0x0: {  	(pc) =	sbr.rel $0x88, $3  }
0x1: {  	(tag) =	ssettag $0x0;
	lr =	simm.s32 $0x1  }
0x2: {  	[smem:$0x3F9D] =	sst lr;
	_ =	strace $0xD0000000  }
0x3: {  	_ = 	snop  }
0x4: {  	_ = 	snop  }
0x5: {  	_ = 	snop  }
0x6: {  	_ = 	snop  }
0x7: {  	_ = 	snop  }
__scs_overlays_trampoline_lowered:
0x8: {  	[smem:$0x3FAC] =	sst s0  }
0x9: {  	[smem:$0x3FAD] =	sst s1  }
0xa: {  	[smem:$0x3FAE] =	sst s2  }
0xb: {  	[smem:$0x3FAF] =	sst s3  }
0xc: {  	[smem:$0x3FB0] =	sst s4  }
0xd: {  	[smem:$0x3FB1] =	sst s5  }
0xe: {  	[smem:$0x3FB2] =	sst s6  }
0xf: {  	[smem:$0x3FB3] =	sst s7  }
0x10: {  	[smem:$0x3FB4] =	sst s8  }
0x11: {  	[smem:$0x3FB5] =	sst s9;
	s0 =	simm.s32 @!p0 $0x0  }
0x12: {  	s1 =	sld [smem:$0x3F9B];
	s0 =	simm.s32 @p0 $0x1  }
0x13: {  	[smem:$0x3FB6] =	sst s0;
	s0 =	simm.s32 @!p1 $0x0  }
0x14: {  	s2 =	sld [smem:$0x3F9A];
	s0 =	simm.s32 @p1 $0x1  }
0x15: {  	[smem:$0x3FB7] =	sst s0;
	s0 =	simm.s32 @!p2 $0x0  }
0x16: {  	s3 =	sld [smem:$0x3FDB];
	s0 =	simm.s32 @p2 $0x1  }
0x17: {  	s4 =	simm.s32 $0x1BF5;
	[smem:$0x3FB9] =	sst s0  }
0x18: {  	s0 =	sld [smem:$0x3F9C];
	_ =	swait.ge [sflag:s4], $0x0  }
0x19: {  	s7 =	sld [smem:$0x3F9D]  }
0x1a: {  	s8 =	sadd.s32 $0xFFFFE003, lr  }
0x1b: {  	s9 =	sadd.s32 $0xFFFFFEF7, lr;
	s5 =	simm.s32 $0xFFFFFFFF;
	p2 =	slt.u32 s8, $0xFFFFF086  }
0x1c: {  	p1 =	slt.u32 s9, $0xF7A;
	s5 =	simm.s32 @!p2 $0x0  }
0x1d: {  	s5 =	simm.s32 @p1 $0x1;
	p0 =	seq.s32 s7, s2  }
0x1e: {  	s7 =	smul.u32 @!p0 $0xF7A, s2;
	p2 =	seq.s32 @!p0 s5, $0x0  }
0x1f: {  	s9 =	smul.u32 $0xF7A, s1;
	s8 =	simm.s32 @!p0 $0x1BF5;
	p2 =	por !p2, p0  }
0x20: {  	[sflag:s8] =	ssyncset.s32 @!p0 $0xFFFFF086;
	s6 =	sadd.s32 @!p0 s3, s7;
	s7 =	simm.s32 @!p0 $0x108  }
0x21: {  	s3 =	sadd.s32 s3, s9;
	s6 =	sadd.s32 @!p0 $0x88, s6;
	s7 =	simm.s32 @p2 $0x1082  }
0x22: {  	[simem:s7], [sflag:s8] =	dma.local @!p0 [hbm:s6], $0xF7A  }
0x23: {  	s9 =	sor.u32 $0xD0000000, s2;
	s6 =	simm.s32 $0x108;
	_ =	swait.ge @!p0 [sflag:s8], $0x0  }
0x24: {  	s3 =	sadd.s32 $0x88, s3;
	s6 =	simm.s32 @!p1 $0x1082;
	[sflag:s4] =	ssyncset.s32 $0xFFFFF086  }
0x25: {  	[simem:s6], [sflag:s4] =	dma.local [hbm:s3], $0xF7A  }
0x26: {  	[smem:$0x3F9D] =	sst s1;
	(tag) =	ssettag s2;
	_ =	strace s9  }
0x27: {  	s1 =	sld [smem:$0x3FAD]  }
0x28: {  	s2 =	sld [smem:$0x3FAE]  }
0x29: {  	s4 =	sld [smem:$0x3FB0]  }
0x2a: {  	p0 =	seq.s32 s5, $0x0;
	s5 =	sld [smem:$0x3FB1]  }
0x2b: {  	s6 =	sld [smem:$0x3FB2]  }
0x2c: {  	s7 =	sld [smem:$0x3FB3]  }
0x2d: {  	s3 =	simm.s32 $0x108;
	s8 =	sld [smem:$0x3FB4]  }
0x2e: {  	s3 =	simm.s32 @!p0 $0x1082;
	s9 =	sld [smem:$0x3FB5]  }
0x2f: {  	lr =	sadd.s32 s0, s3;
	s0 =	sld [smem:$0x3FAC]  }
0x30: {  	s3 =	sld [smem:$0x3FAF]  }
0x31: {  	[smem:$0x3FB8] =	sst s10  }
0x32: {  	s10 =	sld [smem:$0x3FB6];
	_ =	sdelay $0x3  }
0x33: {  	p0 =	seq.s32 s10, $0x1;
	s10 =	sld [smem:$0x3FB8];
	_ =	sdelay $0x3  }
0x34: {  	[smem:$0x3FB8] =	sst s10  }
0x35: {  	s10 =	sld [smem:$0x3FB7];
	_ =	sdelay $0x3  }
0x36: {  	p1 =	seq.s32 s10, $0x1;
	s10 =	sld [smem:$0x3FB8];
	_ =	sdelay $0x3  }
0x37: {  	[smem:$0x3FB8] =	sst s10  }
0x38: {  	s10 =	sld [smem:$0x3FB9]  }
0x39: {  	_ = 	snop;
	(pc) =	sbr.ind lr, $3  }
0x3a: {  	_ = 	snop  }
0x3b: {  	_ = 	snop  }
0x3c: {  	p2 =	seq.s32 s10, $0x1;
	s10 =	sld [smem:$0x3FB8]  }
0x3d: {  	_ =	shalt  }
0x3e: {  	_ =	shalt  }
0x3f: {  	_ =	shalt  }
0x40: {  	_ =	shalt  }
0x41: {  	_ =	shalt  }
0x42: {  	_ =	shalt  }
0x43: {  	_ =	shalt  }
0x44: {  	_ =	shalt  }
0x45: {  	_ =	shalt  }
0x46: {  	_ =	shalt  }
0x47: {  	_ =	shalt  }
0x48: {  	_ =	shalt  }
0x49: {  	_ =	shalt  }
0x4a: {  	_ =	shalt  }
0x4b: {  	_ =	shalt  }
0x4c: {  	_ =	shalt  }
0x4d: {  	_ =	shalt  }
0x4e: {  	_ =	shalt  }
0x4f: {  	_ =	shalt  }
0x50: {  	_ =	shalt  }
0x51: {  	_ =	shalt  }
0x52: {  	_ =	shalt  }
0x53: {  	_ =	shalt  }
0x54: {  	_ =	shalt  }
0x55: {  	_ =	shalt  }
0x56: {  	_ =	shalt  }
0x57: {  	_ =	shalt  }
0x58: {  	_ =	shalt  }
0x59: {  	_ =	shalt  }
0x5a: {  	_ =	shalt  }
0x5b: {  	_ =	shalt  }
0x5c: {  	_ =	shalt  }
0x5d: {  	_ =	shalt  }
0x5e: {  	_ =	shalt  }
0x5f: {  	_ =	shalt  }
0x60: {  	_ =	shalt  }
0x61: {  	_ =	shalt  }
0x62: {  	_ =	shalt  }
0x63: {  	_ =	shalt  }
0x64: {  	_ =	shalt  }
0x65: {  	_ =	shalt  }
0x66: {  	_ =	shalt  }
0x67: {  	_ =	shalt  }
0x68: {  	_ =	shalt  }
0x69: {  	_ =	shalt  }
0x6a: {  	_ =	shalt  }
0x6b: {  	_ =	shalt  }
0x6c: {  	_ =	shalt  }
0x6d: {  	_ =	shalt  }
0x6e: {  	_ =	shalt  }
0x6f: {  	_ =	shalt  }
0x70: {  	_ =	shalt  }
0x71: {  	_ =	shalt  }
0x72: {  	_ =	shalt  }
0x73: {  	_ =	shalt  }
0x74: {  	_ =	shalt  }
0x75: {  	_ =	shalt  }
0x76: {  	_ =	shalt  }
0x77: {  	_ =	shalt  }
0x78: {  	_ =	shalt  }
0x79: {  	_ =	shalt  }
0x7a: {  	_ =	shalt  }
0x7b: {  	_ =	shalt  }
0x7c: {  	_ =	shalt  }
0x7d: {  	_ =	shalt  }
0x7e: {  	_ =	shalt  }
0x7f: {  	_ =	shalt  }
0x80: {  	_ =	shalt  }
0x81: {  	_ =	shalt  }
0x82: {  	_ =	shalt  }
0x83: {  	_ =	shalt  }
0x84: {  	_ =	shalt  }
0x85: {  	_ =	shalt  }
0x86: {  	_ =	shalt  }
0x87: {  	_ =	shalt  }
.Lfunc_end0:
.L_simem_size_0:
called_computation_lowered:
.L_overlay_start_0:
0x88: {  	s2 =	sld [smem:$0x3FD9]  }
0x89: {  	s3 =	sld [smem:$0x3FFE];
	_ =	sdelay $0x1  }
0x8a: {  	s1 =	srdreg.scid  }
0x8b: {  	s0 =	sand.u32 $0x1, s1  }
0x8c: {  	s17 =	sshll.u32 s0, $0xA;
	s2 =	sadd.s32 s3, s2  }
0x8d: {  	s2 =	sadd.s32 s2, s17  }
0x8e: {  	[smem:$0x3FC4] =	sst s2  }
0x8f: {  	_ = 	snop  }
0x90: {  	s2 =	sld [smem:$0x3FC7]  }
0x91: {  	s18 =	sld [smem:$0x3FD0];
	(tm) =	ssettm $0x1  }
0x92: {  	s4 =	sld [smem:$0x3FFB];
	_ =	sdelay $0x3  }
0x93: {  	_ =	strace s4  }
0x94: {  	s4 =	sld [smem:$0x3FFC];
	_ =	sdelay $0x3  }
0x95: {  	_ =	strace s4  }
0x96: {  	s4 =	sld [smem:$0x3FFD];
	_ =	sdelay $0x3  }
0x97: {  	_ =	strace s4  }
0x98: {  	_ =	strace $0x8FFFFFFF  }
0x99: {  	s19 =	sld [smem:$0x3FDB];
	_ =	sdelay $0x1  }
0x9a: {  	s5 =	simm.s32 $_scs_section_size  }
0x9b: {  	s6 =	simm.s32 $_size__tile_overlayer_lowered;
	s7 =	simm.s32 $_tile_overlayer_lowered  }
0x9c: {  	s22 =	simm.s32 $0x1BFF;
	s21 =	sshll.u32 s7, $0x1;
	s4 =	sadd.s32 s5, s19  }
0x9d: {  	s8 =	simm.s32 $0x0;
	s20 =	sshll.u32 s6, $0x1;
	s6 =	sadd.s32 s21, s4  }
0x9e: {  	[timem:s8], [sflag:s22] =	dma.local [hbm:s6], s20  }
0x9f: {  	_ =	swait.ge [sflag:s22], s20  }
0xa0: {  	s5 =	ssub.s32 $0x0, s20;
	[sflag:s22] =	ssyncset.done $0x0  }
0xa1: {  	[sflag:s22] =	ssyncadd.s32 s5;
	_ =	sdelay $0x1  }
0xa2: {  	s23 =	simm.s32 $0x1B8B  }
0xa3: {  	_ =	swait.ge [sflag:s23], $0x1  }
0xa4: {  	[sflag:s23] =	ssyncset.done $0x0  }
0xa5: {  	s25 =	simm.s32 $0x1B8E;
	s24 =	sld [smem:$0x3FFE];
	[sflag:s23] =	ssyncadd.s32 $0xFFFFFFFF  }
0xa6: {  	s26 =	simm.s32 $execute0_lowered;
	[smem:$0x3FD2] =	sst s25  }
0xa7: {  	s6 =	sshll.u32 s26, $0x1;
	_ =	strace $0x80000046;
	[dreg:$0x1] =	wrdreg $0xFFFFFFFF  }
0xa8: {  	s28 =	simm.s32 $_size_execute0_lowered;
	s4 =	sadd.s32 s4, s6;
	[dreg:$0x0] =	wrdreg $0x0  }
0xa9: {  	s6 =	sshll.u32 s28, $0x1;
	[dreg:$0x2] =	wrdreg s4  }
0xaa: {  	[dreg:$0x3] =	wrdreg s6  }
0xab: {  	[dreg:$0x4] =	wrdreg $0xC0  }
0xac: {  	_ =	task [dreg:s8], $0x5FFFF  }
0xad: {  	[dreg:$0x1] =	wrdreg $0xFFFFFFFF  }
0xae: {  	[dreg:$0x0] =	wrdreg $0x60  }
0xaf: {  	[dreg:$0x2] =	wrdreg s2  }
0xb0: {  	[dreg:$0x3] =	wrdreg s18  }
0xb1: {  	[dreg:$0x4] =	wrdreg s24  }
0xb2: {  	[dreg:$0x5] =	wrdreg $0x9  }
0xb3: {  	_ =	task.clear_ibuf [dreg:s8], $0x6FFFF;
	_ =	strace $0x90000046  }
0xb4: {  	s29 =	simm.s32 $0x9;
	_ =	strace $0x80000048  }
0xb5: {  	_ =	swait.ge [sflag:s29], $0x1  }
0xb6: {  	[sflag:s29] =	ssyncadd.s32 $0xFFFFFFFF  }
0xb7: {  	_ =	strace $0x90000048  }
0xb8: {  	_ =	sfence  }
0xb9: {  	s30 =	sld [smem:$0x0];
	_ =	sdelay $0x2  }
0xba: {  	s31 =	sshll.u32 s1, $0xD;
	s1 =	sshrl.u32 s1, $0x2  }
0xbb: {  	s3 =	sand.u32 $0x4000, s31;
	s1 =	sadd.s32 s1, s30  }
0xbc: {  	s0 =	sor.u32 s3, s0;
	s1 =	sshll.u32 s1, $0x11  }
0xbd: {  	s0 =	sor.u32 s1, s0  }
0xbe: {  	s0 =	sadd.s32 $0x8F2B, s0  }
0xbf: {  	[sflag:s0] =	ssyncadd.remote.s32 $0x1  }
0xc0: {  	_ =	sfence.sel $0xFFFF  }
0xc1: {  	[dreg:$0x0] =	wrdreg $0xFFFFFFFF;
	(pc) =	sbr.abs _section_cstart, $3  }
0xc2: {  	[dreg:$0x1] =	wrdreg $0xFFFFFFFF  }
0xc3: {  	_ =	task.clear_ibuf [dreg:s8], $0x2FFFF;
	_ =	strace $0x9FFFFFFF  }
0xc4: {  	(tm) =	ssettm $0x7FFFFFFF  }
0xc5: {  	_ =	shalt  }
tec
execute0_lowered:
.L_overlay_start_1:
0x0: {  	(tag) =	ssettag $0x1  }
0x1: {  	s1 =	stileid.u32  }
0x2: {  	p0 =	sgt.u32 s1, $0x7  }
.Ltmp0:
0x3: {  	s4 =	rddreg [dreg:$0x0];
	(pc) =	sbr.rel @p0 .LBB2_4-.Ltmp0, $4  }
0x4: {  	s2 =	rddreg [dreg:$0x1]  }
0x5: {  	s9 =	rddreg [dreg:$0x2];
	s3 =	simm.s32 $0x0  }
0x6: {  	[smem:$0x7FF] =	sst s3  }
0x7: {  	s0 =	rddreg [dreg:$0x3];
	_ =	strace $0x80000047  }
0x8: {  	s5 =	srdreg.scid  }
0x9: {  	s10 =	sand.u32 $0x1, s5  }
0xa: {  	s30 =	sshll.u32 s1, $0x2;
	s6 =	sshll.u32 s10, $0x1  }
0xb: {  	s11 =	sor.u32 s6, s30  }
0xc: {  	s5 =	sadd.s32 s4, s11;
	s4 =	simm.s32 $0x2  }
0xd: {  	[tilespmem:s3], [sflag:$0x2] =	stream.linear.gather [hbm4b:s5+s3], $0x10, $0x38;
	[tilespmem:$0x200] =	vst v63  }
0xe: {  	_ =	swait.ge [sflag:s4], $0x10  }
0xf: {  	s7 =	simm.s32 $0x80;
	[sflag:s4] =	ssyncset.done $0x0  }
0x10: {  	s8 =	simm.s32 $0x1;
	s6 =	simm.s32 $0x10;
	[sflag:s4] =	ssyncadd.s32 $0xFFFFFFF0  }
0x11: {  	[tilespmem:s7], [sflag:$0x1] =	stream.indirect.gather [hbm4b:s2+s6], $0x1, s3, s6, $0xb8;
	[tilespmem:$0x200] =	vst v63  }
0x12: {  	_ =	swait.ge [sflag:s8], $0x10  }
0x13: {  	[sflag:s8] =	ssyncset.done $0x0  }
0x14: {  	[sflag:s8] =	ssyncadd.s32 $0xFFFFFFF0  }
0x15: {  	v0 =	vld [tilespmem:$0x80];
	_ =	sdelay $0x4  }
0x16: {  	v1 =	vsub.f32 $1.000000000e+00, v0  }
0x17: {  	v2 =	vmul.f32 $5.000000000e-01, v0;
	v3 =	vshrl.u32 v0, $0x1  }
0x18: {  	v3 =	vsub.s32 $0x5F3759DF, v3;
	v4 =	vmul.f32 $5.000000000e-01, v1;
	v5 =	vshrl.u32 v1, $0x1  }
0x19: {  	v6 =	vmul.f32 v3, v2;
	v5 =	vsub.s32 $0x5F3759DF, v5  }
0x1a: {  	v7 =	vmul.f32 v5, v4  }
0x1b: {  	v6 =	vmul.f32 v3, v6  }
0x1c: {  	v7 =	vmul.f32 v5, v7  }
0x1d: {  	v6 =	vsub.f32 $1.500000000e+00, v6  }
0x1e: {  	v7 =	vsub.f32 $1.500000000e+00, v7  }
0x1f: {  	v3 =	vmul.f32 v3, v6  }
0x20: {  	v5 =	vmul.f32 v5, v7  }
0x21: {  	v6 =	vmul.f32 v3, v2  }
0x22: {  	v7 =	vmul.f32 v5, v4  }
0x23: {  	v6 =	vmul.f32 v6, v3  }
0x24: {  	v7 =	vmul.f32 v7, v5  }
0x25: {  	v6 =	vsub.f32 $1.500000000e+00, v6  }
0x26: {  	v7 =	vsub.f32 $1.500000000e+00, v7  }
0x27: {  	v3 =	vmul.f32 v6, v3  }
0x28: {  	v5 =	vmul.f32 v7, v5  }
0x29: {  	v2 =	vmul.f32 v3, v2  }
0x2a: {  	v4 =	vmul.f32 v5, v4  }
0x2b: {  	v2 =	vmul.f32 v2, v3  }
0x2c: {  	v4 =	vmul.f32 v4, v5  }
0x2d: {  	v2 =	vsub.f32 $1.500000000e+00, v2  }
0x2e: {  	v4 =	vsub.f32 $1.500000000e+00, v4  }
0x2f: {  	v2 =	vmul.f32 v2, v3  }
0x30: {  	s12 =	sshll.u32 s1, $0x3;
	v63 =	vmul.f32 v4, v5  }
0x31: {  	s12 =	sand.u32 $0x20, s12;
	s31 =	ssub.s32 $0x2, s10;
	s11 =	sand.u32 $0xE, s11;
	v0 =	vmul.f32 v2, v0  }
0x32: {  	s13 =	sshrl.u32 s31, $0x1;
	s11 =	sor.u32 s12, s11;
	v1 =	vmul.f32 v63, v1  }
0x33: {  	s12 =	ssub.s32 s31, s13;
	s11 =	sadd.s32 s11, s9;
	[tilespmem:$0x100] =	vst v0  }
0x34: {  	s10 =	simm.s32 $0x100;
	s13 =	smax.u32 s12, $0x1;
	s9 =	sadd.s32 $0x800, s11;
	[tilespmem:$0x180] =	vst v1  }
0x35: {  	[hbm4b:s9+s3] =	stream.linear.scatter [tilespmem:s10], [sflag:$0x2], $0x10, $0x38;
	[tilespmem:$0x200] =	vst v63  }
0x36: {  	p0 =	sne.s32 s13, $0x1;
	_ =	swait.ge [sflag:s4], $0x10  }
.Ltmp1:
0x37: {  	[sflag:s4] =	ssyncset.done $0x0;
	(pc) =	sbr.rel @!p0 .LBB2_3-.Ltmp1, $4  }
0x38: {  	s12 =	simm.s32 $0x180;
	s11 =	sadd.s32 $0x810, s11;
	[sflag:s4] =	ssyncadd.s32 $0xFFFFFFF0  }
0x39: {  	[hbm4b:s11+s3] =	stream.linear.scatter [tilespmem:s12], [sflag:$0x2], $0x10, $0x38;
	[tilespmem:$0x200] =	vst v63  }
0x3a: {  	_ =	swait.ge [sflag:s4], $0x10  }
0x3b: {  	s13 =	sadd.s32 $0xFFFFFFFF, s13;
	[sflag:s4] =	ssyncset.done $0x0  }
.LBB2_2:
0x3c: {  	p0 =	sne.s32 s13, $0x1;
	s13 =	sadd.s32 $0xFFFFFFFF, s13;
	[sflag:s4] =	ssyncadd.s32 $0xFFFFFFF0  }
0x3d: {  	[tilespmem:s3], [sflag:$0x2] =	stream.linear.gather [hbm4b:s5+s3], $0x10, $0x38;
	[tilespmem:$0x200] =	vst v63  }
0x3e: {  	_ =	swait.ge [sflag:s4], $0x10  }
0x3f: {  	[sflag:s4] =	ssyncset.done $0x0  }
0x40: {  	[sflag:s4] =	ssyncadd.s32 $0xFFFFFFF0  }
0x41: {  	[tilespmem:s7], [sflag:$0x1] =	stream.indirect.gather [hbm4b:s2+s6], $0x1, s3, s6, $0xb8;
	[tilespmem:$0x200] =	vst v63  }
0x42: {  	_ =	swait.ge [sflag:s8], $0x10  }
0x43: {  	[sflag:s8] =	ssyncset.done $0x0  }
0x44: {  	[sflag:s8] =	ssyncadd.s32 $0xFFFFFFF0  }
0x45: {  	v0 =	vld [tilespmem:$0x80];
	_ =	sdelay $0x4  }
0x46: {  	v1 =	vmul.f32 $5.000000000e-01, v0;
	v2 =	vshrl.u32 v0, $0x1;
	v3 =	vsub.f32 $1.000000000e+00, v0  }
0x47: {  	v2 =	vsub.s32 $0x5F3759DF, v2  }
0x48: {  	v4 =	vmul.f32 v2, v1;
	v5 =	vmul.f32 $5.000000000e-01, v3;
	v6 =	vshrl.u32 v3, $0x1  }
0x49: {  	v6 =	vsub.s32 $0x5F3759DF, v6  }
0x4a: {  	v4 =	vmul.f32 v2, v4;
	v7 =	vmul.f32 v6, v5;
	_ =	sdelay $0x1  }
0x4b: {  	v4 =	vsub.f32 $1.500000000e+00, v4;
	v7 =	vmul.f32 v6, v7;
	_ =	sdelay $0x1  }
0x4c: {  	v2 =	vmul.f32 v2, v4;
	v4 =	vsub.f32 $1.500000000e+00, v7;
	_ =	sdelay $0x1  }
0x4d: {  	v7 =	vmul.f32 v2, v1;
	v4 =	vmul.f32 v6, v4;
	_ =	sdelay $0x1  }
0x4e: {  	v6 =	vmul.f32 v7, v2;
	v7 =	vmul.f32 v4, v5;
	_ =	sdelay $0x1  }
0x4f: {  	v6 =	vsub.f32 $1.500000000e+00, v6;
	v7 =	vmul.f32 v7, v4;
	_ =	sdelay $0x1  }
0x50: {  	v2 =	vmul.f32 v6, v2;
	v6 =	vsub.f32 $1.500000000e+00, v7;
	_ =	sdelay $0x1  }
0x51: {  	v1 =	vmul.f32 v2, v1;
	v4 =	vmul.f32 v6, v4;
	_ =	sdelay $0x1  }
0x52: {  	v1 =	vmul.f32 v1, v2;
	v5 =	vmul.f32 v4, v5;
	_ =	sdelay $0x1  }
0x53: {  	v1 =	vsub.f32 $1.500000000e+00, v1;
	v5 =	vmul.f32 v5, v4;
	_ =	sdelay $0x1  }
0x54: {  	v1 =	vmul.f32 v1, v2;
	v2 =	vsub.f32 $1.500000000e+00, v5;
	_ =	sdelay $0x1  }
0x55: {  	v0 =	vmul.f32 v1, v0;
	v1 =	vmul.f32 v2, v4;
	_ =	sdelay $0x1  }
0x56: {  	[tilespmem:$0x100] =	vst v0;
	v0 =	vmul.f32 v1, v3;
	_ =	sdelay $0x1  }
0x57: {  	[tilespmem:$0x180] =	vst v0  }
0x58: {  	[hbm4b:s9+s3] =	stream.linear.scatter [tilespmem:s10], [sflag:$0x2], $0x10, $0x38;
	[tilespmem:$0x200] =	vst v63  }
0x59: {  	_ =	swait.ge [sflag:s4], $0x10  }
.Ltmp2:
0x5a: {  	[sflag:s4] =	ssyncset.done $0x0;
	(pc) =	sbr.rel @p0 .LBB2_2-.Ltmp2, $4  }
0x5b: {  	[sflag:s4] =	ssyncadd.s32 $0xFFFFFFF0  }
0x5c: {  	[hbm4b:s11+s3] =	stream.linear.scatter [tilespmem:s12], [sflag:$0x2], $0x10, $0x38;
	[tilespmem:$0x200] =	vst v63  }
0x5d: {  	_ =	swait.ge [sflag:s4], $0x10  }
0x5e: {  	[sflag:s4] =	ssyncset.done $0x0  }
.LBB2_3:
0x5f: {  	[sflag:s4] =	ssyncadd.s32 $0xFFFFFFF0  }
.LBB2_4:
0x60: {  	_ =	sfence.sel $0x180000  }
0x61: {  	[bflag:$0x0] =	sbarrier.arrive $0xFFFF  }
0x62: {  	p0 =	sne.s32 s1, $0x0;
	_ =	strace $0x90000047  }
0x63: {  	s0 =	sadd.s32 @!p0 $0x100000, s0;
	[bflag:$0x2] =	sbarrier.arrive $0xFFFF  }
0x64: {  	[sflag:s0] =	ssyncadd.tile.s32 @!p0 $0x1;
	_ =	shalt  }
.Lfunc_end2:
_tile_overlayer_lowered:
.L_overlay_start_2:
0x65: {  	(tag) =	ssettag $0x2  }
0x66: {  	s0 =	rddreg [dreg:$0x0];
	s2 =	stileid.u32  }
0x67: {  	s1 =	rddreg [dreg:$0x1];
	p0 =	sne.s32 s2, $0x0  }
0x68: {  	s3 =	rddreg [dreg:$0x2];
	[bflag:$0x3] =	sbarrier.arrive $0xFFFF;
	s2 =	simm.s32 @!p0 $0x1C02  }
0x69: {  	[timem:s3], [sflag:s2] =	dma.local @!p0 [hbm:s0], s1  }
0x6a: {  	s0 =	simm.s32 @!p0 $0x2  }
0x6b: {  	_ =	swait.ge @!p0 [sflag:s0], s1  }
0x6c: {  	s1 =	ssub.s32 @!p0 $0x0, s1;
	[sflag:s0] =	ssyncset.done @!p0 $0x0  }
0x6d: {  	[sflag:s0] =	ssyncadd.s32 @!p0 s1  }
0x6e: {  	[bflag:$0x3] =	sbarrier.arrive $0xFFFF  }
0x6f: {  	_ =	shalt  }

</sc_bundles>
